<compile_context>
chip_gen: v7x
topology: tpu7x:2x2x1
jax: 0.10.2.dev20260603
libtpu: 0.0.44.dev20260713+nightly
codegen_flags: <defaults>
</compile_context>

<pallas_src>
import functools

import jax
import jax.numpy as jnp
from jax import lax
from jax.experimental import pallas as pl
from jax.experimental.pallas import tpu as pltpu
from jax.experimental.pallas import tpu_sc as plsc

B = 16384
D = 32
H = 128
V = 1000000
NC = 2
NS = 16
NW = NC * NS
BPW = B // NW
CHUNK = BPW // 2
CB = 12288
NBLK = -(-V // CB)


def _packmm_body(x_ref, w_ref, o_ref):
    xb = x_ref[...].astype(jnp.bfloat16)
    wb = w_ref[...].astype(jnp.bfloat16)
    o_ref[...] = lax.dot_general(
        xb, wb, (((0,), (0,)), ((), ())),
        preferred_element_type=jnp.float32)


def _packmm_tc(table_t, w_half):
    return pl.pallas_call(
        _packmm_body,
        grid=(NBLK,),
        in_specs=[
            pl.BlockSpec((D, CB), lambda i: (0, i)),
            pl.BlockSpec((D, H), lambda i: (0, 0)),
        ],
        out_specs=pl.BlockSpec((CB, H), lambda i: (i, 0)),
        out_shape=jax.ShapeDtypeStruct((V, H), jnp.float32),
        compiler_params=pltpu.CompilerParams(
            dimension_semantics=("arbitrary",)),
    )(table_t, w_half)


def _gather_one(table, idx):
    mesh = plsc.VectorSubcoreMesh(core_axis_name="c", subcore_axis_name="s")

    @functools.partial(
        pl.kernel,
        mesh=mesh,
        out_type=jax.ShapeDtypeStruct((B, H), jnp.float32),
        scratch_types=[
            pltpu.VMEM((BPW,), jnp.int32),
            pltpu.VMEM((CHUNK, H), jnp.float32),
            pltpu.VMEM((CHUNK, H), jnp.float32),
            pltpu.SemaphoreType.DMA,
            pltpu.SemaphoreType.DMA,
            pltpu.SemaphoreType.DMA,
            pltpu.SemaphoreType.DMA,
        ],
    )
    def k(t_hbm, i_hbm, o_hbm, idx_v, buf0, buf1, gs0, gs1, ws0, ws1):
        wid = lax.axis_index("s") * NC + lax.axis_index("c")
        base = wid * BPW
        pltpu.sync_copy(i_hbm.at[pl.ds(base, BPW)], idx_v)
        g0 = pltpu.async_copy(t_hbm.at[idx_v.at[pl.ds(0, CHUNK)]], buf0, gs0)
        g1 = pltpu.async_copy(t_hbm.at[idx_v.at[pl.ds(CHUNK, CHUNK)]], buf1, gs1)
        g0.wait()
        w0 = pltpu.async_copy(buf0, o_hbm.at[pl.ds(base, CHUNK)], ws0)
        g1.wait()
        w1 = pltpu.async_copy(buf1, o_hbm.at[pl.ds(base + CHUNK, CHUNK)], ws1)
        w0.wait()
        w1.wait()

    return k(table, idx)


def _mlp_body(gu_ref, gi_ref, b1_ref, w2_ref, b2_ref, o_ref):
    h = jnp.maximum(gu_ref[...] + gi_ref[...] + b1_ref[...], 0.0)
    o_ref[...] = jnp.sum(h * w2_ref[...], axis=1, keepdims=True) + b2_ref[...]


def _mlp_tc(gu, gi, b1, W2, b2):
    b1r = b1.reshape(1, H)
    w2r = W2.reshape(1, H)
    b2s = b2.reshape(1, 1)

    BLK = 2048
    return pl.pallas_call(
        _mlp_body,
        grid=(B // BLK,),
        in_specs=[
            pl.BlockSpec((BLK, H), lambda i: (i, 0)),
            pl.BlockSpec((BLK, H), lambda i: (i, 0)),
            pl.BlockSpec((1, H), lambda i: (0, 0)),
            pl.BlockSpec((1, H), lambda i: (0, 0)),
            pl.BlockSpec((1, 1), lambda i: (0, 0)),
        ],
        out_specs=pl.BlockSpec((BLK, 1), lambda i: (i, 0)),
        out_shape=jax.ShapeDtypeStruct((B, 1), jnp.float32),
    )(gu, gi, b1r, w2r, b2s)


def kernel(user, item, user_table, item_table, W1, b1, W2, b2):
    tu = _packmm_tc(user_table.T, W1[:D])
    gu = _gather_one(tu, user)
    ti = _packmm_tc(item_table.T, W1[D:])
    gi = _gather_one(ti, item)
    return _mlp_tc(gu, gi, b1, W2, b2)

# --- scband reference (transcript-rebuilt; emitter-appended) ---
"""Pipeline reference for scband-ncf-6253472383330 (READ-ONLY COPY).

The authoritative reference and input builder live on the scoring server;
editing this copy changes nothing except your own understanding.
"""

import jax, jax.numpy as jnp
import numpy as np

NUM_USERS = 1000000
NUM_ITEMS = 1000000
EMBED_DIM = 32
BATCH = 16384
HIDDEN = 128

def setup_inputs(seed: int = 0) -> dict:
    key = jax.random.key(seed)
    k_user, k_item, k_ue, k_ie, k_w1, k_b1, k_w2, k_b2 = jax.random.split(key, 8)
    user = jax.random.randint(k_user, (BATCH,), 0, NUM_USERS, dtype=jnp.int64 if jax.config.jax_enable_x64 else jnp.int32).astype(jnp.int32)
    item = jax.random.randint(k_item, (BATCH,), 0, NUM_ITEMS, dtype=jnp.int64 if jax.config.jax_enable_x64 else jnp.int32).astype(jnp.int32)
    user_table = jax.random.normal(k_ue, (NUM_USERS, EMBED_DIM), dtype=jnp.float32)
    item_table = jax.random.normal(k_ie, (NUM_ITEMS, EMBED_DIM), dtype=jnp.float32)
    # fc1: Linear(embedding_dim*2 -> 128); store as [in, out] for x @ W
    W1 = jax.random.normal(k_w1, (EMBED_DIM * 2, HIDDEN), dtype=jnp.float32) * (1.0 / np.sqrt(EMBED_DIM * 2))
    b1 = jax.random.normal(k_b1, (HIDDEN,), dtype=jnp.float32) * 0.01
    # output: Linear(128 -> 1)
    W2 = jax.random.normal(k_w2, (HIDDEN, 1), dtype=jnp.float32) * (1.0 / np.sqrt(HIDDEN))
    b2 = jax.random.normal(k_b2, (1,), dtype=jnp.float32) * 0.01
    return {"user": user, "item": item, "user_table": user_table, "item_table": item_table, "W1": W1, "b1": b1, "W2": W2, "b2": b2}

def reference(user, item, user_table, item_table, W1, b1, W2, b2):
    user_emb = jnp.take(user_table, user, axis=0)          # [B, D]
    item_emb = jnp.take(item_table, item, axis=0)          # [B, D]
    x = jnp.concatenate([user_emb, item_emb], axis=-1)     # [B, 2D]
    x = jax.nn.relu(x @ W1 + b1)                           # [B, 128]
    # dropout is identity in eval mode
    out = x @ W2 + b2                                      # [B, 1]
    return out

if __name__ == "__main__":
    import jax
    _d = setup_inputs()
    print(jax.jit(kernel)(*tuple(_d.values())))

</pallas_src>

<mosaic_0001>
#map = affine_map<(d0, d1) -> (0, 0)>
#map1 = affine_map<(d0, d1) -> (0)>
module attributes {stable_mosaic.version = 14 : i64} {
  func.func @k(%arg0: i32, %arg1: i32, %arg2: memref<1000000x128xf32, #tpu.memory_space<hbm>>, %arg3: memref<16384xi32, #tpu.memory_space<hbm>>, %arg4: memref<16384x128xf32, #tpu.memory_space<hbm>>, %arg5: memref<512xi32, #tpu.memory_space<vmem>>, %arg6: memref<256x128xf32, #tpu.memory_space<vmem>>, %arg7: memref<256x128xf32, #tpu.memory_space<vmem>>, %arg8: memref<!tpu.dma_semaphore, #tpu.memory_space<semaphore_mem>>, %arg9: memref<!tpu.dma_semaphore, #tpu.memory_space<semaphore_mem>>, %arg10: memref<!tpu.dma_semaphore, #tpu.memory_space<semaphore_mem>>, %arg11: memref<!tpu.dma_semaphore, #tpu.memory_space<semaphore_mem>>) attributes {dimension_semantics = [#tpu.dimension_semantics<core_parallel>, #tpu.dimension_semantics<subcore_parallel>], iteration_bounds = array<i64: 2, 16>, scalar_prefetch = 0 : i64, scratch_operands = 7 : i64, tpu.core_type = #tpu.core_type<sc_vector_subcore>, window_params = [{transform_indices = #map}, {transform_indices = #map1}, {transform_indices = #map}]} {
    %mul3A = arith.constant 2 : i32
    %mul3A_0 = arith.muli %arg1, %mul3A : i32
    %add3A = arith.addi %mul3A_0, %arg0 : i32
    %mul3A_1 = arith.constant 512 : i32
    %mul3A_2 = arith.muli %add3A, %mul3A_1 : i32
    "tpu.region"() ({
      %run_scoped3A = tpu.sem_alloc : memref<!tpu.dma_semaphore, #tpu.memory_space<semaphore_mem>>
      %dma_start3A_39 = tpu.memref_slice %arg3[%mul3A_2] : memref<16384xi32, #tpu.memory_space<hbm>> -> memref<512xi32, #tpu.memory_space<hbm>>
      %dma_start3A_40 = tpu.memref_slice %arg3[%mul3A_2] : memref<16384xi32, #tpu.memory_space<hbm>> -> memref<512xi32, #tpu.memory_space<hbm>>
      tpu.enqueue_dma source(%dma_start3A_40 : memref<512xi32, #tpu.memory_space<hbm>>) target(%arg5 : memref<512xi32, #tpu.memory_space<vmem>>) target_semaphore(%run_scoped3A : memref<!tpu.dma_semaphore, #tpu.memory_space<semaphore_mem>>)
      %dma_wait3A_41 = tpu.memref_slice %arg3[%mul3A_2] : memref<16384xi32, #tpu.memory_space<hbm>> -> memref<512xi32, #tpu.memory_space<hbm>>
      %dma_wait3A_42 = tpu.memref_slice %arg3[%mul3A_2] : memref<16384xi32, #tpu.memory_space<hbm>> -> memref<512xi32, #tpu.memory_space<hbm>>
      tpu.wait_dma2 semaphore(%run_scoped3A : memref<!tpu.dma_semaphore, #tpu.memory_space<semaphore_mem>>) src(%dma_wait3A_42 : memref<512xi32, #tpu.memory_space<hbm>>) dst(%arg5 : memref<512xi32, #tpu.memory_space<vmem>>)
      tpu.yield
    }) : () -> ()
    %dma_start3A = arith.constant 0 : i32
    %dma_start3A_3 = tpu.memref_slice %arg5[%dma_start3A] : memref<512xi32, #tpu.memory_space<vmem>> -> memref<256xi32, #tpu.memory_space<vmem>>
    %dma_start3A_4 = arith.constant 0 : i32
    %dma_start3A_5 = arith.constant 0 : i32
    %dma_start3A_6 = tpu.memref_slice %arg2[%dma_start3A_4, %dma_start3A_5] : memref<1000000x128xf32, #tpu.memory_space<hbm>> -> memref<1000000x128xf32, #tpu.memory_space<hbm>>
    tpu.enqueue_indirect_dma source(%dma_start3A_6 : memref<1000000x128xf32, #tpu.memory_space<hbm>>) target(%arg6 : memref<256x128xf32, #tpu.memory_space<vmem>>) offsets(%dma_start3A_3 : memref<256xi32, #tpu.memory_space<vmem>>) semaphore(%arg8 : memref<!tpu.dma_semaphore, #tpu.memory_space<semaphore_mem>>)
    %dma_start3A_7 = arith.constant 256 : i32
    %dma_start3A_8 = tpu.memref_slice %arg5[%dma_start3A_7] : memref<512xi32, #tpu.memory_space<vmem>> -> memref<256xi32, #tpu.memory_space<vmem>>
    %dma_start3A_9 = arith.constant 0 : i32
    %dma_start3A_10 = arith.constant 0 : i32
    %dma_start3A_11 = tpu.memref_slice %arg2[%dma_start3A_9, %dma_start3A_10] : memref<1000000x128xf32, #tpu.memory_space<hbm>> -> memref<1000000x128xf32, #tpu.memory_space<hbm>>
    tpu.enqueue_indirect_dma source(%dma_start3A_11 : memref<1000000x128xf32, #tpu.memory_space<hbm>>) target(%arg7 : memref<256x128xf32, #tpu.memory_space<vmem>>) offsets(%dma_start3A_8 : memref<256xi32, #tpu.memory_space<vmem>>) semaphore(%arg9 : memref<!tpu.dma_semaphore, #tpu.memory_space<semaphore_mem>>)
    %dma_wait3A = arith.constant 0 : i32
    %dma_wait3A_12 = tpu.memref_slice %arg5[%dma_wait3A] : memref<512xi32, #tpu.memory_space<vmem>> -> memref<256xi32, #tpu.memory_space<vmem>>
    %dma_wait3A_13 = arith.constant 0 : i32
    %dma_wait3A_14 = arith.constant 0 : i32
    %dma_wait3A_15 = tpu.memref_slice %arg2[%dma_wait3A_13, %dma_wait3A_14] : memref<1000000x128xf32, #tpu.memory_space<hbm>> -> memref<1000000x128xf32, #tpu.memory_space<hbm>>
    tpu.wait_indirect_dma semaphore(%arg8 : memref<!tpu.dma_semaphore, #tpu.memory_space<semaphore_mem>>) src(%dma_wait3A_15 : memref<1000000x128xf32, #tpu.memory_space<hbm>>) dst(%arg6 : memref<256x128xf32, #tpu.memory_space<vmem>>)
    %dma_start3A_16 = arith.constant 0 : i32
    %dma_start3A_17 = tpu.memref_slice %arg4[%mul3A_2, %dma_start3A_16] : memref<16384x128xf32, #tpu.memory_space<hbm>> -> memref<256x128xf32, #tpu.memory_space<hbm>>
    %dma_start3A_18 = arith.constant 0 : i32
    %dma_start3A_19 = tpu.memref_slice %arg4[%mul3A_2, %dma_start3A_18] : memref<16384x128xf32, #tpu.memory_space<hbm>> -> memref<256x128xf32, #tpu.memory_space<hbm>>
    tpu.enqueue_dma source(%arg6 : memref<256x128xf32, #tpu.memory_space<vmem>>) target(%dma_start3A_19 : memref<256x128xf32, #tpu.memory_space<hbm>>) target_semaphore(%arg10 : memref<!tpu.dma_semaphore, #tpu.memory_space<semaphore_mem>>)
    %dma_wait3A_20 = arith.constant 256 : i32
    %dma_wait3A_21 = tpu.memref_slice %arg5[%dma_wait3A_20] : memref<512xi32, #tpu.memory_space<vmem>> -> memref<256xi32, #tpu.memory_space<vmem>>
    %dma_wait3A_22 = arith.constant 0 : i32
    %dma_wait3A_23 = arith.constant 0 : i32
    %dma_wait3A_24 = tpu.memref_slice %arg2[%dma_wait3A_22, %dma_wait3A_23] : memref<1000000x128xf32, #tpu.memory_space<hbm>> -> memref<1000000x128xf32, #tpu.memory_space<hbm>>
    tpu.wait_indirect_dma semaphore(%arg9 : memref<!tpu.dma_semaphore, #tpu.memory_space<semaphore_mem>>) src(%dma_wait3A_24 : memref<1000000x128xf32, #tpu.memory_space<hbm>>) dst(%arg7 : memref<256x128xf32, #tpu.memory_space<vmem>>)
    %add3A_25 = arith.constant 256 : i32
    %add3A_26 = arith.addi %mul3A_2, %add3A_25 : i32
    %dma_start3A_27 = arith.constant 0 : i32
    %dma_start3A_28 = tpu.memref_slice %arg4[%add3A_26, %dma_start3A_27] : memref<16384x128xf32, #tpu.memory_space<hbm>> -> memref<256x128xf32, #tpu.memory_space<hbm>>
    %dma_start3A_29 = arith.constant 0 : i32
    %dma_start3A_30 = tpu.memref_slice %arg4[%add3A_26, %dma_start3A_29] : memref<16384x128xf32, #tpu.memory_space<hbm>> -> memref<256x128xf32, #tpu.memory_space<hbm>>
    tpu.enqueue_dma source(%arg7 : memref<256x128xf32, #tpu.memory_space<vmem>>) target(%dma_start3A_30 : memref<256x128xf32, #tpu.memory_space<hbm>>) target_semaphore(%arg11 : memref<!tpu.dma_semaphore, #tpu.memory_space<semaphore_mem>>)
    %dma_wait3A_31 = arith.constant 0 : i32
    %dma_wait3A_32 = tpu.memref_slice %arg4[%mul3A_2, %dma_wait3A_31] : memref<16384x128xf32, #tpu.memory_space<hbm>> -> memref<256x128xf32, #tpu.memory_space<hbm>>
    %dma_wait3A_33 = arith.constant 0 : i32
    %dma_wait3A_34 = tpu.memref_slice %arg4[%mul3A_2, %dma_wait3A_33] : memref<16384x128xf32, #tpu.memory_space<hbm>> -> memref<256x128xf32, #tpu.memory_space<hbm>>
    tpu.wait_dma2 semaphore(%arg10 : memref<!tpu.dma_semaphore, #tpu.memory_space<semaphore_mem>>) src(%arg6 : memref<256x128xf32, #tpu.memory_space<vmem>>) dst(%dma_wait3A_34 : memref<256x128xf32, #tpu.memory_space<hbm>>)
    %dma_wait3A_35 = arith.constant 0 : i32
    %dma_wait3A_36 = tpu.memref_slice %arg4[%add3A_26, %dma_wait3A_35] : memref<16384x128xf32, #tpu.memory_space<hbm>> -> memref<256x128xf32, #tpu.memory_space<hbm>>
    %dma_wait3A_37 = arith.constant 0 : i32
    %dma_wait3A_38 = tpu.memref_slice %arg4[%add3A_26, %dma_wait3A_37] : memref<16384x128xf32, #tpu.memory_space<hbm>> -> memref<256x128xf32, #tpu.memory_space<hbm>>
    tpu.wait_dma2 semaphore(%arg11 : memref<!tpu.dma_semaphore, #tpu.memory_space<semaphore_mem>>) src(%arg7 : memref<256x128xf32, #tpu.memory_space<vmem>>) dst(%dma_wait3A_38 : memref<256x128xf32, #tpu.memory_space<hbm>>)
    return
  }
}

#map = affine_map<(d0, d1) -> (0, 0)>
#map1 = affine_map<(d0, d1) -> (0)>
module attributes {stable_mosaic.version = 14 : i64} {
  func.func @k(%arg0: i32, %arg1: i32, %arg2: memref<1000000x128xf32, #tpu.memory_space<hbm>>, %arg3: memref<16384xi32, #tpu.memory_space<hbm>>, %arg4: memref<16384x128xf32, #tpu.memory_space<hbm>>, %arg5: memref<512xi32, #tpu.memory_space<vmem>>, %arg6: memref<256x128xf32, #tpu.memory_space<vmem>>, %arg7: memref<256x128xf32, #tpu.memory_space<vmem>>, %arg8: memref<!tpu.dma_semaphore, #tpu.memory_space<semaphore_mem>>, %arg9: memref<!tpu.dma_semaphore, #tpu.memory_space<semaphore_mem>>, %arg10: memref<!tpu.dma_semaphore, #tpu.memory_space<semaphore_mem>>, %arg11: memref<!tpu.dma_semaphore, #tpu.memory_space<semaphore_mem>>) attributes {dimension_semantics = [#tpu.dimension_semantics<core_parallel>, #tpu.dimension_semantics<subcore_parallel>], iteration_bounds = array<i64: 2, 16>, scalar_prefetch = 0 : i64, scratch_operands = 7 : i64, tpu.core_type = #tpu.core_type<sc_vector_subcore>, window_params = [{transform_indices = #map}, {transform_indices = #map1}, {transform_indices = #map}]} {
    %mul3A = arith.constant 2 : i32
    %mul3A_0 = arith.muli %arg1, %mul3A : i32
    %add3A = arith.addi %mul3A_0, %arg0 : i32
    %mul3A_1 = arith.constant 512 : i32
    %mul3A_2 = arith.muli %add3A, %mul3A_1 : i32
    "tpu.region"() ({
      %run_scoped3A = tpu.sem_alloc : memref<!tpu.dma_semaphore, #tpu.memory_space<semaphore_mem>>
      %dma_start3A_39 = tpu.memref_slice %arg3[%mul3A_2] : memref<16384xi32, #tpu.memory_space<hbm>> -> memref<512xi32, #tpu.memory_space<hbm>>
      %dma_start3A_40 = tpu.memref_slice %arg3[%mul3A_2] : memref<16384xi32, #tpu.memory_space<hbm>> -> memref<512xi32, #tpu.memory_space<hbm>>
      tpu.enqueue_dma source(%dma_start3A_40 : memref<512xi32, #tpu.memory_space<hbm>>) target(%arg5 : memref<512xi32, #tpu.memory_space<vmem>>) target_semaphore(%run_scoped3A : memref<!tpu.dma_semaphore, #tpu.memory_space<semaphore_mem>>)
      %dma_wait3A_41 = tpu.memref_slice %arg3[%mul3A_2] : memref<16384xi32, #tpu.memory_space<hbm>> -> memref<512xi32, #tpu.memory_space<hbm>>
      %dma_wait3A_42 = tpu.memref_slice %arg3[%mul3A_2] : memref<16384xi32, #tpu.memory_space<hbm>> -> memref<512xi32, #tpu.memory_space<hbm>>
      tpu.wait_dma2 semaphore(%run_scoped3A : memref<!tpu.dma_semaphore, #tpu.memory_space<semaphore_mem>>) src(%dma_wait3A_42 : memref<512xi32, #tpu.memory_space<hbm>>) dst(%arg5 : memref<512xi32, #tpu.memory_space<vmem>>)
      tpu.yield
    }) : () -> ()
    %dma_start3A = arith.constant 0 : i32
    %dma_start3A_3 = tpu.memref_slice %arg5[%dma_start3A] : memref<512xi32, #tpu.memory_space<vmem>> -> memref<256xi32, #tpu.memory_space<vmem>>
    %dma_start3A_4 = arith.constant 0 : i32
    %dma_start3A_5 = arith.constant 0 : i32
    %dma_start3A_6 = tpu.memref_slice %arg2[%dma_start3A_4, %dma_start3A_5] : memref<1000000x128xf32, #tpu.memory_space<hbm>> -> memref<1000000x128xf32, #tpu.memory_space<hbm>>
    tpu.enqueue_indirect_dma source(%dma_start3A_6 : memref<1000000x128xf32, #tpu.memory_space<hbm>>) target(%arg6 : memref<256x128xf32, #tpu.memory_space<vmem>>) offsets(%dma_start3A_3 : memref<256xi32, #tpu.memory_space<vmem>>) semaphore(%arg8 : memref<!tpu.dma_semaphore, #tpu.memory_space<semaphore_mem>>)
    %dma_start3A_7 = arith.constant 256 : i32
    %dma_start3A_8 = tpu.memref_slice %arg5[%dma_start3A_7] : memref<512xi32, #tpu.memory_space<vmem>> -> memref<256xi32, #tpu.memory_space<vmem>>
    %dma_start3A_9 = arith.constant 0 : i32
    %dma_start3A_10 = arith.constant 0 : i32
    %dma_start3A_11 = tpu.memref_slice %arg2[%dma_start3A_9, %dma_start3A_10] : memref<1000000x128xf32, #tpu.memory_space<hbm>> -> memref<1000000x128xf32, #tpu.memory_space<hbm>>
    tpu.enqueue_indirect_dma source(%dma_start3A_11 : memref<1000000x128xf32, #tpu.memory_space<hbm>>) target(%arg7 : memref<256x128xf32, #tpu.memory_space<vmem>>) offsets(%dma_start3A_8 : memref<256xi32, #tpu.memory_space<vmem>>) semaphore(%arg9 : memref<!tpu.dma_semaphore, #tpu.memory_space<semaphore_mem>>)
    %dma_wait3A = arith.constant 0 : i32
    %dma_wait3A_12 = tpu.memref_slice %arg5[%dma_wait3A] : memref<512xi32, #tpu.memory_space<vmem>> -> memref<256xi32, #tpu.memory_space<vmem>>
    %dma_wait3A_13 = arith.constant 0 : i32
    %dma_wait3A_14 = arith.constant 0 : i32
    %dma_wait3A_15 = tpu.memref_slice %arg2[%dma_wait3A_13, %dma_wait3A_14] : memref<1000000x128xf32, #tpu.memory_space<hbm>> -> memref<1000000x128xf32, #tpu.memory_space<hbm>>
    tpu.wait_indirect_dma semaphore(%arg8 : memref<!tpu.dma_semaphore, #tpu.memory_space<semaphore_mem>>) src(%dma_wait3A_15 : memref<1000000x128xf32, #tpu.memory_space<hbm>>) dst(%arg6 : memref<256x128xf32, #tpu.memory_space<vmem>>)
    %dma_start3A_16 = arith.constant 0 : i32
    %dma_start3A_17 = tpu.memref_slice %arg4[%mul3A_2, %dma_start3A_16] : memref<16384x128xf32, #tpu.memory_space<hbm>> -> memref<256x128xf32, #tpu.memory_space<hbm>>
    %dma_start3A_18 = arith.constant 0 : i32
    %dma_start3A_19 = tpu.memref_slice %arg4[%mul3A_2, %dma_start3A_18] : memref<16384x128xf32, #tpu.memory_space<hbm>> -> memref<256x128xf32, #tpu.memory_space<hbm>>
    tpu.enqueue_dma source(%arg6 : memref<256x128xf32, #tpu.memory_space<vmem>>) target(%dma_start3A_19 : memref<256x128xf32, #tpu.memory_space<hbm>>) target_semaphore(%arg10 : memref<!tpu.dma_semaphore, #tpu.memory_space<semaphore_mem>>)
    %dma_wait3A_20 = arith.constant 256 : i32
    %dma_wait3A_21 = tpu.memref_slice %arg5[%dma_wait3A_20] : memref<512xi32, #tpu.memory_space<vmem>> -> memref<256xi32, #tpu.memory_space<vmem>>
    %dma_wait3A_22 = arith.constant 0 : i32
    %dma_wait3A_23 = arith.constant 0 : i32
    %dma_wait3A_24 = tpu.memref_slice %arg2[%dma_wait3A_22, %dma_wait3A_23] : memref<1000000x128xf32, #tpu.memory_space<hbm>> -> memref<1000000x128xf32, #tpu.memory_space<hbm>>
    tpu.wait_indirect_dma semaphore(%arg9 : memref<!tpu.dma_semaphore, #tpu.memory_space<semaphore_mem>>) src(%dma_wait3A_24 : memref<1000000x128xf32, #tpu.memory_space<hbm>>) dst(%arg7 : memref<256x128xf32, #tpu.memory_space<vmem>>)
    %add3A_25 = arith.constant 256 : i32
    %add3A_26 = arith.addi %mul3A_2, %add3A_25 : i32
    %dma_start3A_27 = arith.constant 0 : i32
    %dma_start3A_28 = tpu.memref_slice %arg4[%add3A_26, %dma_start3A_27] : memref<16384x128xf32, #tpu.memory_space<hbm>> -> memref<256x128xf32, #tpu.memory_space<hbm>>
    %dma_start3A_29 = arith.constant 0 : i32
    %dma_start3A_30 = tpu.memref_slice %arg4[%add3A_26, %dma_start3A_29] : memref<16384x128xf32, #tpu.memory_space<hbm>> -> memref<256x128xf32, #tpu.memory_space<hbm>>
    tpu.enqueue_dma source(%arg7 : memref<256x128xf32, #tpu.memory_space<vmem>>) target(%dma_start3A_30 : memref<256x128xf32, #tpu.memory_space<hbm>>) target_semaphore(%arg11 : memref<!tpu.dma_semaphore, #tpu.memory_space<semaphore_mem>>)
    %dma_wait3A_31 = arith.constant 0 : i32
    %dma_wait3A_32 = tpu.memref_slice %arg4[%mul3A_2, %dma_wait3A_31] : memref<16384x128xf32, #tpu.memory_space<hbm>> -> memref<256x128xf32, #tpu.memory_space<hbm>>
    %dma_wait3A_33 = arith.constant 0 : i32
    %dma_wait3A_34 = tpu.memref_slice %arg4[%mul3A_2, %dma_wait3A_33] : memref<16384x128xf32, #tpu.memory_space<hbm>> -> memref<256x128xf32, #tpu.memory_space<hbm>>
    tpu.wait_dma2 semaphore(%arg10 : memref<!tpu.dma_semaphore, #tpu.memory_space<semaphore_mem>>) src(%arg6 : memref<256x128xf32, #tpu.memory_space<vmem>>) dst(%dma_wait3A_34 : memref<256x128xf32, #tpu.memory_space<hbm>>)
    %dma_wait3A_35 = arith.constant 0 : i32
    %dma_wait3A_36 = tpu.memref_slice %arg4[%add3A_26, %dma_wait3A_35] : memref<16384x128xf32, #tpu.memory_space<hbm>> -> memref<256x128xf32, #tpu.memory_space<hbm>>
    %dma_wait3A_37 = arith.constant 0 : i32
    %dma_wait3A_38 = tpu.memref_slice %arg4[%add3A_26, %dma_wait3A_37] : memref<16384x128xf32, #tpu.memory_space<hbm>> -> memref<256x128xf32, #tpu.memory_space<hbm>>
    tpu.wait_dma2 semaphore(%arg11 : memref<!tpu.dma_semaphore, #tpu.memory_space<semaphore_mem>>) src(%arg7 : memref<256x128xf32, #tpu.memory_space<vmem>>) dst(%dma_wait3A_38 : memref<256x128xf32, #tpu.memory_space<hbm>>)
    return
  }
}

module attributes {stable_mosaic.version = 14 : i64} {
  func.func @_packmm_body(%arg0: i32, %arg1: memref<32x12288xf32, #tpu.memory_space<vmem>>, %arg2: memref<32x128xf32, #tpu.memory_space<vmem>>, %arg3: memref<12288x128xf32, #tpu.memory_space<vmem>>) attributes {dimension_semantics = [#tpu.dimension_semantics<arbitrary>], iteration_bounds = array<i64: 82>, scalar_prefetch = 0 : i64, scratch_operands = 0 : i64, tpu.core_type = #tpu.core_type<tc>, window_params = [{transform_indices = @transform_0, window_bounds = array<i64: 32, 12288>}, {pipeline_mode = #tpu.pipeline_mode<synchronous>, transform_indices = @transform_1, window_bounds = array<i64: 32, 128>}, {transform_indices = @transform_2, window_bounds = array<i64: 12288, 128>}]} {
    %get3A = arith.constant 0 : index
    %get3A_0 = arith.constant 0 : index
    %get3A_1 = vector.load %arg1[%get3A, %get3A_0] : memref<32x12288xf32, #tpu.memory_space<vmem>>, vector<32x12288xf32>
    %convert_element_type3A = arith.truncf %get3A_1 : vector<32x12288xf32> to vector<32x12288xbf16>
    %get3A_2 = arith.constant 0 : index
    %get3A_3 = arith.constant 0 : index
    %get3A_4 = vector.load %arg2[%get3A_2, %get3A_3] : memref<32x128xf32, #tpu.memory_space<vmem>>, vector<32x128xf32>
    %convert_element_type3A_5 = arith.truncf %get3A_4 : vector<32x128xf32> to vector<32x128xbf16>
    %dot_general3A = arith.constant dense<0.000000e+00> : vector<12288x128xf32>
    %dot_general3A_6 = tpu.matmul %convert_element_type3A, %convert_element_type3A_5, %dot_general3A {dimension_numbers = #tpu.dot_dimension_numbers<[0], [0], [1], [1], [0, 1, 1, 1], [], []>, transpose_lhs_hint = false} : vector<32x12288xbf16>, vector<32x128xbf16>, vector<12288x128xf32> -> vector<12288x128xf32>
    %swap3A = arith.constant 0 : index
    %swap3A_7 = arith.constant 0 : index
    %swap3A_8 = vector.load %arg3[%swap3A, %swap3A_7] : memref<12288x128xf32, #tpu.memory_space<vmem>>, vector<12288x128xf32>
    tpu.vector_store %arg3[%swap3A, %swap3A_7], %dot_general3A_6 {strides = array<i32>} : memref<12288x128xf32, #tpu.memory_space<vmem>>, vector<12288x128xf32>,
    return
  }
  func.func @transform_0(%arg0: i32) -> (i32, i32) {
    %c0_i32 = arith.constant 0 : i32
    %c0_i32_0 = arith.constant 0 : i32
    return %c0_i32, %arg0 : i32, i32
  }
  func.func @transform_1(%arg0: i32) -> (i32, i32) {
    %c0_i32 = arith.constant 0 : i32
    %c0_i32_0 = arith.constant 0 : i32
    %c0_i32_1 = arith.constant 0 : i32
    return %c0_i32, %c0_i32_0 : i32, i32
  }
  func.func @transform_2(%arg0: i32) -> (i32, i32) {
    %c0_i32 = arith.constant 0 : i32
    %c0_i32_0 = arith.constant 0 : i32
    return %arg0, %c0_i32 : i32, i32
  }
}

module attributes {stable_mosaic.version = 14 : i64} {
  func.func @_mlp_body(%arg0: i32, %arg1: memref<2048x128xf32, #tpu.memory_space<vmem>>, %arg2: memref<2048x128xf32, #tpu.memory_space<vmem>>, %arg3: memref<1x128xf32, #tpu.memory_space<vmem>>, %arg4: memref<1x128xf32, #tpu.memory_space<vmem>>, %arg5: memref<1x1xf32, #tpu.memory_space<vmem>>, %arg6: memref<2048x1xf32, #tpu.memory_space<vmem>>) attributes {dimension_semantics = [#tpu.dimension_semantics<arbitrary>], iteration_bounds = array<i64: 8>, scalar_prefetch = 0 : i64, scratch_operands = 0 : i64, tpu.core_type = #tpu.core_type<tc>, window_params = [{transform_indices = @transform_0, window_bounds = array<i64: 2048, 128>}, {transform_indices = @transform_1, window_bounds = array<i64: 2048, 128>}, {pipeline_mode = #tpu.pipeline_mode<synchronous>, transform_indices = @transform_2, window_bounds = array<i64: 1, 128>}, {pipeline_mode = #tpu.pipeline_mode<synchronous>, transform_indices = @transform_3, window_bounds = array<i64: 1, 128>}, {pipeline_mode = #tpu.pipeline_mode<synchronous>, transform_indices = @transform_4, window_bounds = array<i64: 1, 1>}, {transform_indices = @transform_5, window_bounds = array<i64: 2048, 1>}]} {
    %get3A = arith.constant 0 : index
    %get3A_0 = arith.constant 0 : index
    %get3A_1 = vector.load %arg1[%get3A, %get3A_0] : memref<2048x128xf32, #tpu.memory_space<vmem>>, vector<2048x128xf32>
    %get3A_2 = arith.constant 0 : index
    %get3A_3 = arith.constant 0 : index
    %get3A_4 = vector.load %arg2[%get3A_2, %get3A_3] : memref<2048x128xf32, #tpu.memory_space<vmem>>, vector<2048x128xf32>
    %add3A = arith.addf %get3A_1, %get3A_4 : vector<2048x128xf32>
    %get3A_5 = arith.constant 0 : index
    %get3A_6 = arith.constant 0 : index
    %get3A_7 = vector.load %arg3[%get3A_5, %get3A_6] : memref<1x128xf32, #tpu.memory_space<vmem>>, vector<1x128xf32>
    %add3A_8 = vector.broadcast %get3A_7 : vector<1x128xf32> to vector<2048x128xf32>
    %add3A_9 = arith.addf %add3A, %add3A_8 : vector<2048x128xf32>
    %max3A = arith.constant 0.000000e+00 : f32
    %max3A_10 = vector.broadcast %max3A : f32 to vector<2048x128xf32>
    %max3A_11 = arith.maximumf %add3A_9, %max3A_10 : vector<2048x128xf32>
    %get3A_12 = arith.constant 0 : index
    %get3A_13 = arith.constant 0 : index
    %get3A_14 = vector.load %arg4[%get3A_12, %get3A_13] : memref<1x128xf32, #tpu.memory_space<vmem>>, vector<1x128xf32>
    %mul3A = vector.broadcast %get3A_14 : vector<1x128xf32> to vector<2048x128xf32>
    %mul3A_15 = arith.mulf %max3A_11, %mul3A : vector<2048x128xf32>
    %reduce_sum3A = arith.constant dense<0.000000e+00> : vector<2048xf32>
    %reduce_sum3A_16 = vector.multi_reduction <add>, %mul3A_15, %reduce_sum3A [1] : vector<2048x128xf32> to vector<2048xf32>
    %broadcast_in_dim3A = vector.shape_cast %reduce_sum3A_16 : vector<2048xf32> to vector<2048x1xf32>
    %get3A_17 = arith.constant 0 : index
    %get3A_18 = arith.constant 0 : index
    %get3A_19 = vector.load %arg5[%get3A_17, %get3A_18] : memref<1x1xf32, #tpu.memory_space<vmem>>, vector<1x1xf32>
    %add3A_20 = vector.broadcast %get3A_19 : vector<1x1xf32> to vector<2048x1xf32>
    %add3A_21 = arith.addf %broadcast_in_dim3A, %add3A_20 : vector<2048x1xf32>
    %swap3A = arith.constant 0 : index
    %swap3A_22 = arith.constant 0 : index
    %swap3A_23 = vector.load %arg6[%swap3A, %swap3A_22] : memref<2048x1xf32, #tpu.memory_space<vmem>>, vector<2048x1xf32>
    tpu.vector_store %arg6[%swap3A, %swap3A_22], %add3A_21 {strides = array<i32>} : memref<2048x1xf32, #tpu.memory_space<vmem>>, vector<2048x1xf32>,
    return
  }
  func.func @transform_0(%arg0: i32) -> (i32, i32) {
    %c0_i32 = arith.constant 0 : i32
    %c0_i32_0 = arith.constant 0 : i32
    return %arg0, %c0_i32 : i32, i32
  }
  func.func @transform_1(%arg0: i32) -> (i32, i32) {
    %c0_i32 = arith.constant 0 : i32
    %c0_i32_0 = arith.constant 0 : i32
    return %arg0, %c0_i32 : i32, i32
  }
  func.func @transform_2(%arg0: i32) -> (i32, i32) {
    %c0_i32 = arith.constant 0 : i32
    %c0_i32_0 = arith.constant 0 : i32
    %c0_i32_1 = arith.constant 0 : i32
    return %c0_i32, %c0_i32_0 : i32, i32
  }
  func.func @transform_3(%arg0: i32) -> (i32, i32) {
    %c0_i32 = arith.constant 0 : i32
    %c0_i32_0 = arith.constant 0 : i32
    %c0_i32_1 = arith.constant 0 : i32
    return %c0_i32, %c0_i32_0 : i32, i32
  }
  func.func @transform_4(%arg0: i32) -> (i32, i32) {
    %c0_i32 = arith.constant 0 : i32
    %c0_i32_0 = arith.constant 0 : i32
    %c0_i32_1 = arith.constant 0 : i32
    return %c0_i32, %c0_i32_0 : i32, i32
  }
  func.func @transform_5(%arg0: i32) -> (i32, i32) {
    %c0_i32 = arith.constant 0 : i32
    %c0_i32_0 = arith.constant 0 : i32
    return %arg0, %c0_i32 : i32, i32
  }
}

</mosaic_0001>

<sc_bundles>
// kernel: kernel.10.cloned.1.call-start
scs
__scs_entry_jumppad:
0x0: {  	(pc) =	sbr.rel $0x88, $3  }
0x1: {  	(tag) =	ssettag $0x0;
	lr =	simm.s32 $0x1  }
0x2: {  	[smem:$0x3F99] =	sst lr;
	_ =	strace $0xD0000000  }
0x3: {  	_ = 	snop  }
0x4: {  	_ = 	snop  }
0x5: {  	_ = 	snop  }
0x6: {  	_ = 	snop  }
0x7: {  	_ = 	snop  }
__scs_overlays_trampoline_lowered:
0x8: {  	[smem:$0x3FA8] =	sst s0  }
0x9: {  	[smem:$0x3FA9] =	sst s1  }
0xa: {  	[smem:$0x3FAA] =	sst s2  }
0xb: {  	[smem:$0x3FAB] =	sst s3  }
0xc: {  	[smem:$0x3FAC] =	sst s4  }
0xd: {  	[smem:$0x3FAD] =	sst s5  }
0xe: {  	[smem:$0x3FAE] =	sst s6  }
0xf: {  	[smem:$0x3FAF] =	sst s7  }
0x10: {  	[smem:$0x3FB0] =	sst s8  }
0x11: {  	[smem:$0x3FB1] =	sst s9;
	s0 =	simm.s32 @!p0 $0x0  }
0x12: {  	s1 =	sld [smem:$0x3F97];
	s0 =	simm.s32 @p0 $0x1  }
0x13: {  	[smem:$0x3FB2] =	sst s0;
	s0 =	simm.s32 @!p1 $0x0  }
0x14: {  	s2 =	sld [smem:$0x3F96];
	s0 =	simm.s32 @p1 $0x1  }
0x15: {  	[smem:$0x3FB3] =	sst s0;
	s0 =	simm.s32 @!p2 $0x0  }
0x16: {  	s3 =	sld [smem:$0x3FDB];
	s0 =	simm.s32 @p2 $0x1  }
0x17: {  	s4 =	simm.s32 $0x1BF5;
	[smem:$0x3FB5] =	sst s0  }
0x18: {  	s0 =	sld [smem:$0x3F98];
	_ =	swait.ge [sflag:s4], $0x0  }
0x19: {  	s7 =	sld [smem:$0x3F99]  }
0x1a: {  	s8 =	sadd.s32 $0xFFFFE003, lr  }
0x1b: {  	s9 =	sadd.s32 $0xFFFFFEF7, lr;
	s5 =	simm.s32 $0xFFFFFFFF;
	p2 =	slt.u32 s8, $0xFFFFF086  }
0x1c: {  	p1 =	slt.u32 s9, $0xF7A;
	s5 =	simm.s32 @!p2 $0x0  }
0x1d: {  	s5 =	simm.s32 @p1 $0x1;
	p0 =	seq.s32 s7, s2  }
0x1e: {  	s7 =	smul.u32 @!p0 $0xF7A, s2;
	p2 =	seq.s32 @!p0 s5, $0x0  }
0x1f: {  	s9 =	smul.u32 $0xF7A, s1;
	s8 =	simm.s32 @!p0 $0x1BF5;
	p2 =	por !p2, p0  }
0x20: {  	[sflag:s8] =	ssyncset.s32 @!p0 $0xFFFFF086;
	s6 =	sadd.s32 @!p0 s3, s7;
	s7 =	simm.s32 @!p0 $0x108  }
0x21: {  	s3 =	sadd.s32 s3, s9;
	s6 =	sadd.s32 @!p0 $0x88, s6;
	s7 =	simm.s32 @p2 $0x1082  }
0x22: {  	[simem:s7], [sflag:s8] =	dma.local @!p0 [hbm:s6], $0xF7A  }
0x23: {  	s9 =	sor.u32 $0xD0000000, s2;
	s6 =	simm.s32 $0x108;
	_ =	swait.ge @!p0 [sflag:s8], $0x0  }
0x24: {  	s3 =	sadd.s32 $0x88, s3;
	s6 =	simm.s32 @!p1 $0x1082;
	[sflag:s4] =	ssyncset.s32 $0xFFFFF086  }
0x25: {  	[simem:s6], [sflag:s4] =	dma.local [hbm:s3], $0xF7A  }
0x26: {  	[smem:$0x3F99] =	sst s1;
	(tag) =	ssettag s2;
	_ =	strace s9  }
0x27: {  	s1 =	sld [smem:$0x3FA9]  }
0x28: {  	s2 =	sld [smem:$0x3FAA]  }
0x29: {  	s4 =	sld [smem:$0x3FAC]  }
0x2a: {  	p0 =	seq.s32 s5, $0x0;
	s5 =	sld [smem:$0x3FAD]  }
0x2b: {  	s6 =	sld [smem:$0x3FAE]  }
0x2c: {  	s7 =	sld [smem:$0x3FAF]  }
0x2d: {  	s3 =	simm.s32 $0x108;
	s8 =	sld [smem:$0x3FB0]  }
0x2e: {  	s3 =	simm.s32 @!p0 $0x1082;
	s9 =	sld [smem:$0x3FB1]  }
0x2f: {  	lr =	sadd.s32 s0, s3;
	s0 =	sld [smem:$0x3FA8]  }
0x30: {  	s3 =	sld [smem:$0x3FAB]  }
0x31: {  	[smem:$0x3FB4] =	sst s10  }
0x32: {  	s10 =	sld [smem:$0x3FB2];
	_ =	sdelay $0x3  }
0x33: {  	p0 =	seq.s32 s10, $0x1;
	s10 =	sld [smem:$0x3FB4];
	_ =	sdelay $0x3  }
0x34: {  	[smem:$0x3FB4] =	sst s10  }
0x35: {  	s10 =	sld [smem:$0x3FB3];
	_ =	sdelay $0x3  }
0x36: {  	p1 =	seq.s32 s10, $0x1;
	s10 =	sld [smem:$0x3FB4];
	_ =	sdelay $0x3  }
0x37: {  	[smem:$0x3FB4] =	sst s10  }
0x38: {  	s10 =	sld [smem:$0x3FB5]  }
0x39: {  	_ = 	snop;
	(pc) =	sbr.ind lr, $3  }
0x3a: {  	_ = 	snop  }
0x3b: {  	_ = 	snop  }
0x3c: {  	p2 =	seq.s32 s10, $0x1;
	s10 =	sld [smem:$0x3FB4]  }
0x3d: {  	_ =	shalt  }
0x3e: {  	_ =	shalt  }
0x3f: {  	_ =	shalt  }
0x40: {  	_ =	shalt  }
0x41: {  	_ =	shalt  }
0x42: {  	_ =	shalt  }
0x43: {  	_ =	shalt  }
0x44: {  	_ =	shalt  }
0x45: {  	_ =	shalt  }
0x46: {  	_ =	shalt  }
0x47: {  	_ =	shalt  }
0x48: {  	_ =	shalt  }
0x49: {  	_ =	shalt  }
0x4a: {  	_ =	shalt  }
0x4b: {  	_ =	shalt  }
0x4c: {  	_ =	shalt  }
0x4d: {  	_ =	shalt  }
0x4e: {  	_ =	shalt  }
0x4f: {  	_ =	shalt  }
0x50: {  	_ =	shalt  }
0x51: {  	_ =	shalt  }
0x52: {  	_ =	shalt  }
0x53: {  	_ =	shalt  }
0x54: {  	_ =	shalt  }
0x55: {  	_ =	shalt  }
0x56: {  	_ =	shalt  }
0x57: {  	_ =	shalt  }
0x58: {  	_ =	shalt  }
0x59: {  	_ =	shalt  }
0x5a: {  	_ =	shalt  }
0x5b: {  	_ =	shalt  }
0x5c: {  	_ =	shalt  }
0x5d: {  	_ =	shalt  }
0x5e: {  	_ =	shalt  }
0x5f: {  	_ =	shalt  }
0x60: {  	_ =	shalt  }
0x61: {  	_ =	shalt  }
0x62: {  	_ =	shalt  }
0x63: {  	_ =	shalt  }
0x64: {  	_ =	shalt  }
0x65: {  	_ =	shalt  }
0x66: {  	_ =	shalt  }
0x67: {  	_ =	shalt  }
0x68: {  	_ =	shalt  }
0x69: {  	_ =	shalt  }
0x6a: {  	_ =	shalt  }
0x6b: {  	_ =	shalt  }
0x6c: {  	_ =	shalt  }
0x6d: {  	_ =	shalt  }
0x6e: {  	_ =	shalt  }
0x6f: {  	_ =	shalt  }
0x70: {  	_ =	shalt  }
0x71: {  	_ =	shalt  }
0x72: {  	_ =	shalt  }
0x73: {  	_ =	shalt  }
0x74: {  	_ =	shalt  }
0x75: {  	_ =	shalt  }
0x76: {  	_ =	shalt  }
0x77: {  	_ =	shalt  }
0x78: {  	_ =	shalt  }
0x79: {  	_ =	shalt  }
0x7a: {  	_ =	shalt  }
0x7b: {  	_ =	shalt  }
0x7c: {  	_ =	shalt  }
0x7d: {  	_ =	shalt  }
0x7e: {  	_ =	shalt  }
0x7f: {  	_ =	shalt  }
0x80: {  	_ =	shalt  }
0x81: {  	_ =	shalt  }
0x82: {  	_ =	shalt  }
0x83: {  	_ =	shalt  }
0x84: {  	_ =	shalt  }
0x85: {  	_ =	shalt  }
0x86: {  	_ =	shalt  }
0x87: {  	_ =	shalt  }
.Lfunc_end0:
.L_simem_size_0:
called_computation.1_lowered:
.L_overlay_start_0:
0x88: {  	s2 =	sld [smem:$0x3FD9]  }
0x89: {  	s3 =	sld [smem:$0x3FFE];
	_ =	sdelay $0x1  }
0x8a: {  	s1 =	srdreg.scid  }
0x8b: {  	s0 =	sand.u32 $0x1, s1  }
0x8c: {  	s17 =	sshll.u32 s0, $0xA;
	s2 =	sadd.s32 s3, s2  }
0x8d: {  	s2 =	sadd.s32 s2, s17  }
0x8e: {  	[smem:$0x3FC0] =	sst s2  }
0x8f: {  	_ = 	snop  }
0x90: {  	s2 =	sld [smem:$0x3FC8];
	(tm) =	ssettm $0x1  }
0x91: {  	s18 =	sld [smem:$0x3FFB];
	_ =	sdelay $0x3  }
0x92: {  	_ =	strace s18  }
0x93: {  	s3 =	sld [smem:$0x3FFC];
	_ =	sdelay $0x3  }
0x94: {  	_ =	strace s3  }
0x95: {  	s3 =	sld [smem:$0x3FFD];
	_ =	sdelay $0x3  }
0x96: {  	_ =	strace s3  }
0x97: {  	_ =	strace $0x8FFFFFFF  }
0x98: {  	s19 =	sld [smem:$0x3FDB];
	_ =	sdelay $0x1  }
0x99: {  	s4 =	simm.s32 $_scs_section_size  }
0x9a: {  	s5 =	simm.s32 $_size__tile_overlayer_lowered;
	s6 =	simm.s32 $_tile_overlayer_lowered  }
0x9b: {  	s22 =	simm.s32 $0x1BFF;
	s21 =	sshll.u32 s6, $0x1;
	s3 =	sadd.s32 s4, s19  }
0x9c: {  	s7 =	simm.s32 $0x0;
	s20 =	sshll.u32 s5, $0x1;
	s5 =	sadd.s32 s21, s3  }
0x9d: {  	[timem:s7], [sflag:s22] =	dma.local [hbm:s5], s20  }
0x9e: {  	_ =	swait.ge [sflag:s22], s20  }
0x9f: {  	s4 =	ssub.s32 $0x0, s20;
	[sflag:s22] =	ssyncset.done $0x0  }
0xa0: {  	[sflag:s22] =	ssyncadd.s32 s4;
	_ =	sdelay $0x1  }
0xa1: {  	s23 =	simm.s32 $0x1B8B  }
0xa2: {  	_ =	swait.ge [sflag:s23], $0x1  }
0xa3: {  	[sflag:s23] =	ssyncset.done $0x0  }
0xa4: {  	s25 =	simm.s32 $0x1B8E;
	s24 =	sld [smem:$0x3FFE];
	[sflag:s23] =	ssyncadd.s32 $0xFFFFFFFF  }
0xa5: {  	s26 =	simm.s32 $execute0_lowered;
	[smem:$0x3FD2] =	sst s25  }
0xa6: {  	s5 =	sshll.u32 s26, $0x1;
	_ =	strace $0x80000046;
	[dreg:$0x1] =	wrdreg $0xFFFFFFFF  }
0xa7: {  	s28 =	simm.s32 $_size_execute0_lowered;
	s3 =	sadd.s32 s3, s5;
	[dreg:$0x0] =	wrdreg $0x0  }
0xa8: {  	s5 =	sshll.u32 s28, $0x1;
	[dreg:$0x2] =	wrdreg s3  }
0xa9: {  	[dreg:$0x3] =	wrdreg s5  }
0xaa: {  	[dreg:$0x4] =	wrdreg $0xC0  }
0xab: {  	_ =	task [dreg:s7], $0x5FFFF  }
0xac: {  	[dreg:$0x1] =	wrdreg $0xFFFFFFFF  }
0xad: {  	[dreg:$0x0] =	wrdreg $0x60  }
0xae: {  	[dreg:$0x2] =	wrdreg s24  }
0xaf: {  	[dreg:$0x3] =	wrdreg s2  }
0xb0: {  	[dreg:$0x4] =	wrdreg $0xA  }
0xb1: {  	_ =	task.clear_ibuf [dreg:s7], $0x5FFFF;
	_ =	strace $0x90000046  }
0xb2: {  	s29 =	simm.s32 $0xA;
	_ =	strace $0x80000048  }
0xb3: {  	_ =	swait.ge [sflag:s29], $0x1  }
0xb4: {  	[sflag:s29] =	ssyncadd.s32 $0xFFFFFFFF  }
0xb5: {  	_ =	strace $0x90000048  }
0xb6: {  	_ =	sfence  }
0xb7: {  	s30 =	sld [smem:$0x0];
	_ =	sdelay $0x2  }
0xb8: {  	s31 =	sshll.u32 s1, $0xD;
	s1 =	sshrl.u32 s1, $0x2  }
0xb9: {  	s3 =	sand.u32 $0x4000, s31;
	s1 =	sadd.s32 s1, s30  }
0xba: {  	s0 =	sor.u32 s3, s0;
	s1 =	sshll.u32 s1, $0x11  }
0xbb: {  	s0 =	sor.u32 s1, s0  }
0xbc: {  	s0 =	sadd.s32 $0x8F2B, s0  }
0xbd: {  	[sflag:s0] =	ssyncadd.remote.s32 $0x1  }
0xbe: {  	_ =	sfence.sel $0xFFFF  }
0xbf: {  	[dreg:$0x0] =	wrdreg $0xFFFFFFFF;
	(pc) =	sbr.abs _section_cstart, $3  }
0xc0: {  	[dreg:$0x1] =	wrdreg $0xFFFFFFFF  }
0xc1: {  	_ =	task.clear_ibuf [dreg:s7], $0x2FFFF;
	_ =	strace $0x9FFFFFFF  }
0xc2: {  	(tm) =	ssettm $0x7FFFFFFF  }
0xc3: {  	_ =	shalt  }
tec
execute0_lowered:
.L_overlay_start_1:
0x0: {  	(tag) =	ssettag $0x1  }
0x1: {  	s1 =	srdreg.scid  }
0x2: {  	s10 =	rddreg [dreg:$0x0];
	s0 =	stileid.u32;
	s12 =	sand.u32 $0x1, s1  }
0x3: {  	s3 =	rddreg [dreg:$0x1];
	s4 =	sshll.u32 s0, $0xA;
	s5 =	sshll.u32 s12, $0x9  }
0x4: {  	s2 =	simm.s32 $0x0;
	s1 =	rddreg [dreg:$0x2];
	s11 =	sor.u32 s5, s4  }
0x5: {  	[smem:$0x7FF] =	sst s2;
	s4 =	sshrl.u32 s11, $0x3  }
0x6: {  	_ =	strace $0x80000047;
	s3 =	sadd.s32 s3, s4;
	s4 =	simm.s32 $0x5  }
0x7: {  	[tilespmem:s2], [sflag:$0x5] =	stream.linear.gather [hbm4b:s3+s2], $0x200, $0x38;
	[tilespmem:$0x10200] =	vst v63  }
0x8: {  	_ =	swait.ge [sflag:s4], $0x200  }
0x9: {  	s6 =	simm.s32 $0x100;
	[sflag:s4] =	ssyncset.done $0x0  }
0xa: {  	s7 =	simm.s32 $0x200;
	s5 =	sadd.s32 $0x1200, s10;
	[sflag:s4] =	ssyncadd.s32 $0xFFFFFE00  }
0xb: {  	[tilespmem:s7], [sflag:$0x1] =	stream.indirect.gather [hbm4b:s5+s6], $0x80, s2, s6, $0xb8;
	[tilespmem:$0x10200] =	vst v63  }
0xc: {  	s8 =	simm.s32 $0x8200;
	s9 =	simm.s32 $0x1  }
0xd: {  	[tilespmem:s8], [sflag:$0x2] =	stream.indirect.gather [hbm4b:s5+s6], $0x80, s6, s6, $0xb8;
	[tilespmem:$0x10200] =	vst v63  }
0xe: {  	s14 =	ssub.s32 $0x2, s12;
	s11 =	sshll.u32 s11, $0x4;
	_ =	swait.ge [sflag:s9], $0x8000  }
0xf: {  	s15 =	sshrl.u32 s14, $0x1;
	s13 =	sadd.s32 s11, s10;
	[sflag:s9] =	ssyncset.done $0x0  }
0x10: {  	s11 =	simm.s32 $0x2;
	s10 =	sadd.s32 $0xF43600, s13;
	[sflag:s9] =	ssyncadd.s32 $0xFFFF8000  }
0x11: {  	[hbm4b:s10+s2] =	stream.linear.scatter [tilespmem:s7], [sflag:$0x3], $0x8000, $0x38;
	[tilespmem:$0x10200] =	vst v63  }
0x12: {  	s14 =	ssub.s32 s14, s15;
	_ =	swait.ge [sflag:s11], $0x8000  }
0x13: {  	s15 =	smax.u32 s14, $0x1;
	s12 =	sadd.s32 $0xF44600, s13;
	[sflag:s11] =	ssyncset.done $0x0  }
0x14: {  	s13 =	simm.s32 $0x3;
	p0 =	sne.s32 s15, $0x1;
	[sflag:s11] =	ssyncadd.s32 $0xFFFF8000  }
0x15: {  	[hbm4b:s12+s2] =	stream.linear.scatter [tilespmem:s8], [sflag:$0x4], $0x8000, $0x38;
	[tilespmem:$0x10200] =	vst v63  }
.Ltmp0:
0x16: {  	_ =	swait.ge [sflag:s13], $0x8000;
	(pc) =	sbr.rel @!p0 .LBB2_2-.Ltmp0, $4  }
0x17: {  	[sflag:s13] =	ssyncset.done $0x0  }
0x18: {  	s14 =	simm.s32 $0x4;
	[sflag:s13] =	ssyncadd.s32 $0xFFFF8000  }
0x19: {  	_ =	swait.ge [sflag:s14], $0x8000  }
0x1a: {  	s15 =	sadd.s32 $0xFFFFFFFF, s15;
	[sflag:s14] =	ssyncset.done $0x0  }
.LBB2_1:
0x1b: {  	p0 =	sne.s32 s15, $0x1;
	s15 =	sadd.s32 $0xFFFFFFFF, s15;
	[sflag:s14] =	ssyncadd.s32 $0xFFFF8000  }
0x1c: {  	[tilespmem:s2], [sflag:$0x5] =	stream.linear.gather [hbm4b:s3+s2], $0x200, $0x38;
	[tilespmem:$0x10200] =	vst v63  }
0x1d: {  	_ =	swait.ge [sflag:s4], $0x200  }
0x1e: {  	[sflag:s4] =	ssyncset.done $0x0  }
0x1f: {  	[sflag:s4] =	ssyncadd.s32 $0xFFFFFE00  }
0x20: {  	[tilespmem:s7], [sflag:$0x1] =	stream.indirect.gather [hbm4b:s5+s6], $0x80, s2, s6, $0xb8;
	[tilespmem:$0x10200] =	vst v63  }
0x21: {  	_ = 	snop  }
0x22: {  	[tilespmem:s8], [sflag:$0x2] =	stream.indirect.gather [hbm4b:s5+s6], $0x80, s6, s6, $0xb8;
	[tilespmem:$0x10200] =	vst v63  }
0x23: {  	_ =	swait.ge [sflag:s9], $0x8000  }
0x24: {  	[sflag:s9] =	ssyncset.done $0x0  }
0x25: {  	[sflag:s9] =	ssyncadd.s32 $0xFFFF8000  }
0x26: {  	[hbm4b:s10+s2] =	stream.linear.scatter [tilespmem:s7], [sflag:$0x3], $0x8000, $0x38;
	[tilespmem:$0x10200] =	vst v63  }
0x27: {  	_ =	swait.ge [sflag:s11], $0x8000  }
0x28: {  	[sflag:s11] =	ssyncset.done $0x0  }
0x29: {  	[sflag:s11] =	ssyncadd.s32 $0xFFFF8000  }
0x2a: {  	[hbm4b:s12+s2] =	stream.linear.scatter [tilespmem:s8], [sflag:$0x4], $0x8000, $0x38;
	[tilespmem:$0x10200] =	vst v63  }
.Ltmp1:
0x2b: {  	_ =	swait.ge [sflag:s13], $0x8000;
	(pc) =	sbr.rel @p0 .LBB2_1-.Ltmp1, $4  }
0x2c: {  	[sflag:s13] =	ssyncset.done $0x0  }
0x2d: {  	[sflag:s13] =	ssyncadd.s32 $0xFFFF8000  }
0x2e: {  	_ =	swait.ge [sflag:s14], $0x8000  }
0x2f: {  	[sflag:s14] =	ssyncset.done $0x0  }
.LBB2_2:
0x30: {  	[sflag:s14] =	ssyncadd.s32 $0xFFFF8000  }
0x31: {  	_ =	sfence.sel $0x180000  }
0x32: {  	[bflag:$0x0] =	sbarrier.arrive $0xFFFF  }
0x33: {  	p0 =	sne.s32 s0, $0x0;
	_ =	strace $0x90000047  }
0x34: {  	s0 =	sadd.s32 @!p0 $0x100000, s1;
	[bflag:$0x2] =	sbarrier.arrive $0xFFFF  }
0x35: {  	[sflag:s0] =	ssyncadd.tile.s32 @!p0 $0x1;
	_ =	shalt  }
.Lfunc_end2:
_tile_overlayer_lowered:
.L_overlay_start_2:
0x36: {  	(tag) =	ssettag $0x2  }
0x37: {  	s0 =	rddreg [dreg:$0x0];
	s2 =	stileid.u32  }
0x38: {  	s1 =	rddreg [dreg:$0x1];
	p0 =	sne.s32 s2, $0x0  }
0x39: {  	s3 =	rddreg [dreg:$0x2];
	[bflag:$0x3] =	sbarrier.arrive $0xFFFF;
	s2 =	simm.s32 @!p0 $0x1C05  }
0x3a: {  	[timem:s3], [sflag:s2] =	dma.local @!p0 [hbm:s0], s1  }
0x3b: {  	s0 =	simm.s32 @!p0 $0x5  }
0x3c: {  	_ =	swait.ge @!p0 [sflag:s0], s1  }
0x3d: {  	s1 =	ssub.s32 @!p0 $0x0, s1;
	[sflag:s0] =	ssyncset.done @!p0 $0x0  }
0x3e: {  	[sflag:s0] =	ssyncadd.s32 @!p0 s1  }
0x3f: {  	[bflag:$0x3] =	sbarrier.arrive $0xFFFF  }
0x40: {  	_ =	shalt  }

// kernel: kernel.7.cloned.1.call-start
scs
__scs_entry_jumppad:
0x0: {  	(pc) =	sbr.rel $0x88, $3  }
0x1: {  	(tag) =	ssettag $0x0;
	lr =	simm.s32 $0x1  }
0x2: {  	[smem:$0x3F99] =	sst lr;
	_ =	strace $0xD0000000  }
0x3: {  	_ = 	snop  }
0x4: {  	_ = 	snop  }
0x5: {  	_ = 	snop  }
0x6: {  	_ = 	snop  }
0x7: {  	_ = 	snop  }
__scs_overlays_trampoline_lowered:
0x8: {  	[smem:$0x3FA8] =	sst s0  }
0x9: {  	[smem:$0x3FA9] =	sst s1  }
0xa: {  	[smem:$0x3FAA] =	sst s2  }
0xb: {  	[smem:$0x3FAB] =	sst s3  }
0xc: {  	[smem:$0x3FAC] =	sst s4  }
0xd: {  	[smem:$0x3FAD] =	sst s5  }
0xe: {  	[smem:$0x3FAE] =	sst s6  }
0xf: {  	[smem:$0x3FAF] =	sst s7  }
0x10: {  	[smem:$0x3FB0] =	sst s8  }
0x11: {  	[smem:$0x3FB1] =	sst s9;
	s0 =	simm.s32 @!p0 $0x0  }
0x12: {  	s1 =	sld [smem:$0x3F97];
	s0 =	simm.s32 @p0 $0x1  }
0x13: {  	[smem:$0x3FB2] =	sst s0;
	s0 =	simm.s32 @!p1 $0x0  }
0x14: {  	s2 =	sld [smem:$0x3F96];
	s0 =	simm.s32 @p1 $0x1  }
0x15: {  	[smem:$0x3FB3] =	sst s0;
	s0 =	simm.s32 @!p2 $0x0  }
0x16: {  	s3 =	sld [smem:$0x3FDB];
	s0 =	simm.s32 @p2 $0x1  }
0x17: {  	s4 =	simm.s32 $0x1BF5;
	[smem:$0x3FB5] =	sst s0  }
0x18: {  	s0 =	sld [smem:$0x3F98];
	_ =	swait.ge [sflag:s4], $0x0  }
0x19: {  	s7 =	sld [smem:$0x3F99]  }
0x1a: {  	s8 =	sadd.s32 $0xFFFFE003, lr  }
0x1b: {  	s9 =	sadd.s32 $0xFFFFFEF7, lr;
	s5 =	simm.s32 $0xFFFFFFFF;
	p2 =	slt.u32 s8, $0xFFFFF086  }
0x1c: {  	p1 =	slt.u32 s9, $0xF7A;
	s5 =	simm.s32 @!p2 $0x0  }
0x1d: {  	s5 =	simm.s32 @p1 $0x1;
	p0 =	seq.s32 s7, s2  }
0x1e: {  	s7 =	smul.u32 @!p0 $0xF7A, s2;
	p2 =	seq.s32 @!p0 s5, $0x0  }
0x1f: {  	s9 =	smul.u32 $0xF7A, s1;
	s8 =	simm.s32 @!p0 $0x1BF5;
	p2 =	por !p2, p0  }
0x20: {  	[sflag:s8] =	ssyncset.s32 @!p0 $0xFFFFF086;
	s6 =	sadd.s32 @!p0 s3, s7;
	s7 =	simm.s32 @!p0 $0x108  }
0x21: {  	s3 =	sadd.s32 s3, s9;
	s6 =	sadd.s32 @!p0 $0x88, s6;
	s7 =	simm.s32 @p2 $0x1082  }
0x22: {  	[simem:s7], [sflag:s8] =	dma.local @!p0 [hbm:s6], $0xF7A  }
0x23: {  	s9 =	sor.u32 $0xD0000000, s2;
	s6 =	simm.s32 $0x108;
	_ =	swait.ge @!p0 [sflag:s8], $0x0  }
0x24: {  	s3 =	sadd.s32 $0x88, s3;
	s6 =	simm.s32 @!p1 $0x1082;
	[sflag:s4] =	ssyncset.s32 $0xFFFFF086  }
0x25: {  	[simem:s6], [sflag:s4] =	dma.local [hbm:s3], $0xF7A  }
0x26: {  	[smem:$0x3F99] =	sst s1;
	(tag) =	ssettag s2;
	_ =	strace s9  }
0x27: {  	s1 =	sld [smem:$0x3FA9]  }
0x28: {  	s2 =	sld [smem:$0x3FAA]  }
0x29: {  	s4 =	sld [smem:$0x3FAC]  }
0x2a: {  	p0 =	seq.s32 s5, $0x0;
	s5 =	sld [smem:$0x3FAD]  }
0x2b: {  	s6 =	sld [smem:$0x3FAE]  }
0x2c: {  	s7 =	sld [smem:$0x3FAF]  }
0x2d: {  	s3 =	simm.s32 $0x108;
	s8 =	sld [smem:$0x3FB0]  }
0x2e: {  	s3 =	simm.s32 @!p0 $0x1082;
	s9 =	sld [smem:$0x3FB1]  }
0x2f: {  	lr =	sadd.s32 s0, s3;
	s0 =	sld [smem:$0x3FA8]  }
0x30: {  	s3 =	sld [smem:$0x3FAB]  }
0x31: {  	[smem:$0x3FB4] =	sst s10  }
0x32: {  	s10 =	sld [smem:$0x3FB2];
	_ =	sdelay $0x3  }
0x33: {  	p0 =	seq.s32 s10, $0x1;
	s10 =	sld [smem:$0x3FB4];
	_ =	sdelay $0x3  }
0x34: {  	[smem:$0x3FB4] =	sst s10  }
0x35: {  	s10 =	sld [smem:$0x3FB3];
	_ =	sdelay $0x3  }
0x36: {  	p1 =	seq.s32 s10, $0x1;
	s10 =	sld [smem:$0x3FB4];
	_ =	sdelay $0x3  }
0x37: {  	[smem:$0x3FB4] =	sst s10  }
0x38: {  	s10 =	sld [smem:$0x3FB5]  }
0x39: {  	_ = 	snop;
	(pc) =	sbr.ind lr, $3  }
0x3a: {  	_ = 	snop  }
0x3b: {  	_ = 	snop  }
0x3c: {  	p2 =	seq.s32 s10, $0x1;
	s10 =	sld [smem:$0x3FB4]  }
0x3d: {  	_ =	shalt  }
0x3e: {  	_ =	shalt  }
0x3f: {  	_ =	shalt  }
0x40: {  	_ =	shalt  }
0x41: {  	_ =	shalt  }
0x42: {  	_ =	shalt  }
0x43: {  	_ =	shalt  }
0x44: {  	_ =	shalt  }
0x45: {  	_ =	shalt  }
0x46: {  	_ =	shalt  }
0x47: {  	_ =	shalt  }
0x48: {  	_ =	shalt  }
0x49: {  	_ =	shalt  }
0x4a: {  	_ =	shalt  }
0x4b: {  	_ =	shalt  }
0x4c: {  	_ =	shalt  }
0x4d: {  	_ =	shalt  }
0x4e: {  	_ =	shalt  }
0x4f: {  	_ =	shalt  }
0x50: {  	_ =	shalt  }
0x51: {  	_ =	shalt  }
0x52: {  	_ =	shalt  }
0x53: {  	_ =	shalt  }
0x54: {  	_ =	shalt  }
0x55: {  	_ =	shalt  }
0x56: {  	_ =	shalt  }
0x57: {  	_ =	shalt  }
0x58: {  	_ =	shalt  }
0x59: {  	_ =	shalt  }
0x5a: {  	_ =	shalt  }
0x5b: {  	_ =	shalt  }
0x5c: {  	_ =	shalt  }
0x5d: {  	_ =	shalt  }
0x5e: {  	_ =	shalt  }
0x5f: {  	_ =	shalt  }
0x60: {  	_ =	shalt  }
0x61: {  	_ =	shalt  }
0x62: {  	_ =	shalt  }
0x63: {  	_ =	shalt  }
0x64: {  	_ =	shalt  }
0x65: {  	_ =	shalt  }
0x66: {  	_ =	shalt  }
0x67: {  	_ =	shalt  }
0x68: {  	_ =	shalt  }
0x69: {  	_ =	shalt  }
0x6a: {  	_ =	shalt  }
0x6b: {  	_ =	shalt  }
0x6c: {  	_ =	shalt  }
0x6d: {  	_ =	shalt  }
0x6e: {  	_ =	shalt  }
0x6f: {  	_ =	shalt  }
0x70: {  	_ =	shalt  }
0x71: {  	_ =	shalt  }
0x72: {  	_ =	shalt  }
0x73: {  	_ =	shalt  }
0x74: {  	_ =	shalt  }
0x75: {  	_ =	shalt  }
0x76: {  	_ =	shalt  }
0x77: {  	_ =	shalt  }
0x78: {  	_ =	shalt  }
0x79: {  	_ =	shalt  }
0x7a: {  	_ =	shalt  }
0x7b: {  	_ =	shalt  }
0x7c: {  	_ =	shalt  }
0x7d: {  	_ =	shalt  }
0x7e: {  	_ =	shalt  }
0x7f: {  	_ =	shalt  }
0x80: {  	_ =	shalt  }
0x81: {  	_ =	shalt  }
0x82: {  	_ =	shalt  }
0x83: {  	_ =	shalt  }
0x84: {  	_ =	shalt  }
0x85: {  	_ =	shalt  }
0x86: {  	_ =	shalt  }
0x87: {  	_ =	shalt  }
.Lfunc_end0:
.L_simem_size_0:
called_computation_lowered:
.L_overlay_start_0:
0x88: {  	s2 =	sld [smem:$0x3FD9]  }
0x89: {  	s3 =	sld [smem:$0x3FFE];
	_ =	sdelay $0x1  }
0x8a: {  	s1 =	srdreg.scid  }
0x8b: {  	s0 =	sand.u32 $0x1, s1  }
0x8c: {  	s17 =	sshll.u32 s0, $0xA;
	s2 =	sadd.s32 s3, s2  }
0x8d: {  	s2 =	sadd.s32 s2, s17  }
0x8e: {  	[smem:$0x3FC0] =	sst s2  }
0x8f: {  	_ = 	snop  }
0x90: {  	s18 =	sld [smem:$0x3FC9];
	(tm) =	ssettm $0x1  }
0x91: {  	s19 =	sld [smem:$0x3FFB];
	_ =	sdelay $0x3  }
0x92: {  	_ =	strace s19  }
0x93: {  	s2 =	sld [smem:$0x3FFC];
	_ =	sdelay $0x3  }
0x94: {  	_ =	strace s2  }
0x95: {  	s2 =	sld [smem:$0x3FFD];
	_ =	sdelay $0x3  }
0x96: {  	_ =	strace s2  }
0x97: {  	_ =	strace $0x8FFFFFFF  }
0x98: {  	s20 =	sld [smem:$0x3FDB];
	_ =	sdelay $0x1  }
0x99: {  	s4 =	simm.s32 $_scs_section_size  }
0x9a: {  	s5 =	simm.s32 $_size__tile_overlayer_lowered;
	s6 =	simm.s32 $_tile_overlayer_lowered  }
0x9b: {  	s7 =	simm.s32 $0x1BFF;
	s21 =	sshll.u32 s6, $0x1;
	s4 =	sadd.s32 s4, s20  }
0x9c: {  	s22 =	simm.s32 $0x0;
	s5 =	sshll.u32 s5, $0x1;
	s6 =	sadd.s32 s21, s4  }
0x9d: {  	[timem:s22], [sflag:s7] =	dma.local [hbm:s6], s5  }
0x9e: {  	_ =	swait.ge [sflag:s7], s5  }
0x9f: {  	s5 =	ssub.s32 $0x0, s5;
	[sflag:s7] =	ssyncset.done $0x0  }
0xa0: {  	[sflag:s7] =	ssyncadd.s32 s5;
	_ =	sdelay $0x1  }
0xa1: {  	s23 =	simm.s32 $0x1B8B  }
0xa2: {  	_ =	swait.ge [sflag:s23], $0x1  }
0xa3: {  	[sflag:s23] =	ssyncset.done $0x0  }
0xa4: {  	[sflag:s23] =	ssyncadd.s32 $0xFFFFFFFF  }
0xa5: {  	s5 =	sld [smem:$0x0]  }
0xa6: {  	s6 =	sand.u32 $0xFFFFFFFE, s1  }
0xa7: {  	p0 =	sne.s32 s1, s6  }
0xa8: {  	s6 =	sshll.u32 @p0 s6, $0xE  }
0xa9: {  	s6 =	sadd.s32 @p0 $0x11B8D, s6;
	s7 =	sshll.u32 @p0 s5, $0x11  }
0xaa: {  	s6 =	sor.u32 @p0 s7, s6  }
0xab: {  	[sflag:s6] =	ssyncadd.remote.s32 @p0 $0x1;
	_ =	sdelay $0x1  }
0xac: {  	s6 =	simm.s32 @p0 $0x1B8D  }
0xad: {  	_ =	swait.eq @p0 [sflag:s6], $0x1  }
0xae: {  	[sflag:s6] =	ssyncadd.s32 @p0 $0xFFFFFFFF  }
0xaf: {  	s7 =	sshll.u32 @!p0 s1, $0xE  }
0xb0: {  	s7 =	sor.u32 @!p0 $0x4000, s7;
	s6 =	simm.s32 @!p0 $0x1B8D  }
0xb1: {  	s5 =	sshll.u32 @!p0 s5, $0x11;
	s7 =	sadd.s32 @!p0 $0x11B8D, s7;
	_ =	swait.eq @!p0 [sflag:s6], $0x1  }
0xb2: {  	s5 =	sor.u32 @!p0 s5, s7;
	[sflag:s6] =	ssyncadd.s32 @!p0 $0xFFFFFFFF  }
0xb3: {  	s25 =	simm.s32 $0x1B8E;
	s24 =	sld [smem:$0x3FFE];
	[sflag:s5] =	ssyncadd.remote.s32 @!p0 $0x1  }
0xb4: {  	s26 =	simm.s32 $execute0_lowered;
	[smem:$0x3FD2] =	sst s25  }
0xb5: {  	s6 =	sshll.u32 s26, $0x1;
	_ =	strace $0x80000049;
	[dreg:$0x1] =	wrdreg $0xFFFFFFFF  }
0xb6: {  	s28 =	simm.s32 $_size_execute0_lowered;
	s4 =	sadd.s32 s4, s6;
	[dreg:$0x0] =	wrdreg $0x0  }
0xb7: {  	s6 =	sshll.u32 s28, $0x1;
	[dreg:$0x2] =	wrdreg s4  }
0xb8: {  	[dreg:$0x3] =	wrdreg s6  }
0xb9: {  	[dreg:$0x4] =	wrdreg $0xC0  }
0xba: {  	_ =	task [dreg:s22], $0x5FFFF  }
0xbb: {  	[dreg:$0x1] =	wrdreg $0xFFFFFFFF  }
0xbc: {  	[dreg:$0x0] =	wrdreg $0x60  }
0xbd: {  	[dreg:$0x2] =	wrdreg s24  }
0xbe: {  	[dreg:$0x3] =	wrdreg s18  }
0xbf: {  	[dreg:$0x4] =	wrdreg $0x9  }
0xc0: {  	_ =	task.clear_ibuf [dreg:s22], $0x5FFFF;
	_ =	strace $0x90000049  }
0xc1: {  	s29 =	simm.s32 $0x9;
	_ =	strace $0x8000004B  }
0xc2: {  	_ =	swait.ge [sflag:s29], $0x1  }
0xc3: {  	[sflag:s29] =	ssyncadd.s32 $0xFFFFFFFF  }
0xc4: {  	_ =	strace $0x9000004B  }
0xc5: {  	_ =	sfence  }
0xc6: {  	s30 =	sld [smem:$0x0];
	_ =	sdelay $0x2  }
0xc7: {  	s31 =	sshll.u32 s1, $0xD;
	s1 =	sshrl.u32 s1, $0x2  }
0xc8: {  	s4 =	sand.u32 $0x4000, s31;
	s1 =	sadd.s32 s1, s30  }
0xc9: {  	s0 =	sor.u32 s4, s0;
	s1 =	sshll.u32 s1, $0x11  }
0xca: {  	s0 =	sor.u32 s1, s0  }
0xcb: {  	s0 =	sadd.s32 $0x8F2B, s0  }
0xcc: {  	[sflag:s0] =	ssyncadd.remote.s32 $0x1  }
0xcd: {  	_ =	sfence.sel $0xFFFF  }
0xce: {  	[dreg:$0x0] =	wrdreg $0xFFFFFFFF;
	(pc) =	sbr.abs _section_cstart, $3  }
0xcf: {  	[dreg:$0x1] =	wrdreg $0xFFFFFFFF  }
0xd0: {  	_ =	task.clear_ibuf [dreg:s22], $0x2FFFF;
	_ =	strace $0x9FFFFFFF  }
0xd1: {  	(tm) =	ssettm $0x7FFFFFFF  }
tec
execute0_lowered:
.L_overlay_start_1:
0x0: {  	(tag) =	ssettag $0x1  }
0x1: {  	s1 =	srdreg.scid  }
0x2: {  	s10 =	rddreg [dreg:$0x0];
	s0 =	stileid.u32;
	s12 =	sand.u32 $0x1, s1  }
0x3: {  	s3 =	rddreg [dreg:$0x1];
	s4 =	sshll.u32 s0, $0xA;
	s5 =	sshll.u32 s12, $0x9  }
0x4: {  	s2 =	simm.s32 $0x0;
	s1 =	rddreg [dreg:$0x2];
	s11 =	sor.u32 s5, s4  }
0x5: {  	[smem:$0x7FF] =	sst s2;
	s4 =	sshrl.u32 s11, $0x3  }
0x6: {  	_ =	strace $0x8000004A;
	s3 =	sadd.s32 s3, s4;
	s4 =	simm.s32 $0x5  }
0x7: {  	[tilespmem:s2], [sflag:$0x5] =	stream.linear.gather [hbm4b:s3+s2], $0x200, $0x38;
	[tilespmem:$0x10200] =	vst v63  }
0x8: {  	_ =	swait.ge [sflag:s4], $0x200  }
0x9: {  	s6 =	simm.s32 $0x100;
	[sflag:s4] =	ssyncset.done $0x0  }
0xa: {  	s7 =	simm.s32 $0x200;
	s5 =	sadd.s32 $0xF83600, s10;
	[sflag:s4] =	ssyncadd.s32 $0xFFFFFE00  }
0xb: {  	[tilespmem:s7], [sflag:$0x1] =	stream.indirect.gather [hbm4b:s5+s6], $0x80, s2, s6, $0xb8;
	[tilespmem:$0x10200] =	vst v63  }
0xc: {  	s8 =	simm.s32 $0x8200;
	s9 =	simm.s32 $0x1  }
0xd: {  	[tilespmem:s8], [sflag:$0x2] =	stream.indirect.gather [hbm4b:s5+s6], $0x80, s6, s6, $0xb8;
	[tilespmem:$0x10200] =	vst v63  }
0xe: {  	s14 =	ssub.s32 $0x2, s12;
	s11 =	sshll.u32 s11, $0x4;
	_ =	swait.ge [sflag:s9], $0x8000  }
0xf: {  	s15 =	sshrl.u32 s14, $0x1;
	s13 =	sadd.s32 s11, s10;
	[sflag:s9] =	ssyncset.done $0x0  }
0x10: {  	s11 =	simm.s32 $0x2;
	s10 =	sadd.s32 $0x1EC5A00, s13;
	[sflag:s9] =	ssyncadd.s32 $0xFFFF8000  }
0x11: {  	[hbm4b:s10+s2] =	stream.linear.scatter [tilespmem:s7], [sflag:$0x3], $0x8000, $0x38;
	[tilespmem:$0x10200] =	vst v63  }
0x12: {  	s14 =	ssub.s32 s14, s15;
	_ =	swait.ge [sflag:s11], $0x8000  }
0x13: {  	s15 =	smax.u32 s14, $0x1;
	s12 =	sadd.s32 $0x1EC6A00, s13;
	[sflag:s11] =	ssyncset.done $0x0  }
0x14: {  	s13 =	simm.s32 $0x3;
	p0 =	sne.s32 s15, $0x1;
	[sflag:s11] =	ssyncadd.s32 $0xFFFF8000  }
0x15: {  	[hbm4b:s12+s2] =	stream.linear.scatter [tilespmem:s8], [sflag:$0x4], $0x8000, $0x38;
	[tilespmem:$0x10200] =	vst v63  }
.Ltmp0:
0x16: {  	_ =	swait.ge [sflag:s13], $0x8000;
	(pc) =	sbr.rel @!p0 .LBB2_2-.Ltmp0, $4  }
0x17: {  	[sflag:s13] =	ssyncset.done $0x0  }
0x18: {  	s14 =	simm.s32 $0x4;
	[sflag:s13] =	ssyncadd.s32 $0xFFFF8000  }
0x19: {  	_ =	swait.ge [sflag:s14], $0x8000  }
0x1a: {  	s15 =	sadd.s32 $0xFFFFFFFF, s15;
	[sflag:s14] =	ssyncset.done $0x0  }
.LBB2_1:
0x1b: {  	p0 =	sne.s32 s15, $0x1;
	s15 =	sadd.s32 $0xFFFFFFFF, s15;
	[sflag:s14] =	ssyncadd.s32 $0xFFFF8000  }
0x1c: {  	[tilespmem:s2], [sflag:$0x5] =	stream.linear.gather [hbm4b:s3+s2], $0x200, $0x38;
	[tilespmem:$0x10200] =	vst v63  }
0x1d: {  	_ =	swait.ge [sflag:s4], $0x200  }
0x1e: {  	[sflag:s4] =	ssyncset.done $0x0  }
0x1f: {  	[sflag:s4] =	ssyncadd.s32 $0xFFFFFE00  }
0x20: {  	[tilespmem:s7], [sflag:$0x1] =	stream.indirect.gather [hbm4b:s5+s6], $0x80, s2, s6, $0xb8;
	[tilespmem:$0x10200] =	vst v63  }
0x21: {  	_ = 	snop  }
0x22: {  	[tilespmem:s8], [sflag:$0x2] =	stream.indirect.gather [hbm4b:s5+s6], $0x80, s6, s6, $0xb8;
	[tilespmem:$0x10200] =	vst v63  }
0x23: {  	_ =	swait.ge [sflag:s9], $0x8000  }
0x24: {  	[sflag:s9] =	ssyncset.done $0x0  }
0x25: {  	[sflag:s9] =	ssyncadd.s32 $0xFFFF8000  }
0x26: {  	[hbm4b:s10+s2] =	stream.linear.scatter [tilespmem:s7], [sflag:$0x3], $0x8000, $0x38;
	[tilespmem:$0x10200] =	vst v63  }
0x27: {  	_ =	swait.ge [sflag:s11], $0x8000  }
0x28: {  	[sflag:s11] =	ssyncset.done $0x0  }
0x29: {  	[sflag:s11] =	ssyncadd.s32 $0xFFFF8000  }
0x2a: {  	[hbm4b:s12+s2] =	stream.linear.scatter [tilespmem:s8], [sflag:$0x4], $0x8000, $0x38;
	[tilespmem:$0x10200] =	vst v63  }
.Ltmp1:
0x2b: {  	_ =	swait.ge [sflag:s13], $0x8000;
	(pc) =	sbr.rel @p0 .LBB2_1-.Ltmp1, $4  }
0x2c: {  	[sflag:s13] =	ssyncset.done $0x0  }
0x2d: {  	[sflag:s13] =	ssyncadd.s32 $0xFFFF8000  }
0x2e: {  	_ =	swait.ge [sflag:s14], $0x8000  }
0x2f: {  	[sflag:s14] =	ssyncset.done $0x0  }
.LBB2_2:
0x30: {  	[sflag:s14] =	ssyncadd.s32 $0xFFFF8000  }
0x31: {  	_ =	sfence.sel $0x180000  }
0x32: {  	[bflag:$0x0] =	sbarrier.arrive $0xFFFF  }
0x33: {  	p0 =	sne.s32 s0, $0x0;
	_ =	strace $0x9000004A  }
0x34: {  	s0 =	sadd.s32 @!p0 $0x100000, s1;
	[bflag:$0x2] =	sbarrier.arrive $0xFFFF  }
0x35: {  	[sflag:s0] =	ssyncadd.tile.s32 @!p0 $0x1;
	_ =	shalt  }
.Lfunc_end2:
_tile_overlayer_lowered:
.L_overlay_start_2:
0x36: {  	(tag) =	ssettag $0x2  }
0x37: {  	s0 =	rddreg [dreg:$0x0];
	s2 =	stileid.u32  }
0x38: {  	s1 =	rddreg [dreg:$0x1];
	p0 =	sne.s32 s2, $0x0  }
0x39: {  	s3 =	rddreg [dreg:$0x2];
	[bflag:$0x3] =	sbarrier.arrive $0xFFFF;
	s2 =	simm.s32 @!p0 $0x1C05  }
0x3a: {  	[timem:s3], [sflag:s2] =	dma.local @!p0 [hbm:s0], s1  }
0x3b: {  	s0 =	simm.s32 @!p0 $0x5  }
0x3c: {  	_ =	swait.ge @!p0 [sflag:s0], s1  }
0x3d: {  	s1 =	ssub.s32 @!p0 $0x0, s1;
	[sflag:s0] =	ssyncset.done @!p0 $0x0  }
0x3e: {  	[sflag:s0] =	ssyncadd.s32 @!p0 s1  }
0x3f: {  	[bflag:$0x3] =	sbarrier.arrive $0xFFFF  }
0x40: {  	_ =	shalt  }

</sc_bundles>
